<compile_context>
chip_gen: v7x
topology: tpu7x:2x2x1
jax: 0.10.2.dev20260603
libtpu: 0.0.44.dev20260713+nightly
codegen_flags: <defaults>
</compile_context>

<pallas_src>
import functools

import jax
import jax.numpy as jnp
import numpy as np
from jax import lax
from jax.experimental import pallas as pl
from jax.experimental.pallas import tpu as pltpu
from jax.experimental.pallas import tpu_sc as plsc

B, S, V, D = 1, 2048, 32768, 768
H, KV, HD = 12, 4, 64
E, K, I, L = 16, 2, 768, 2
THETA = 1000000.0
EPS = 1e-6

F32 = jnp.float32
BF16 = jnp.bfloat16

VB = 1024


def _dot(a, b):
    return jnp.dot(a.astype(BF16), b.astype(BF16), preferred_element_type=F32)


def _dot_t(a, b):
    return lax.dot_general(a.astype(BF16), b.astype(BF16),
                           (((1,), (1,)), ((), ())),
                           preferred_element_type=F32)



def _sc_embed_gather(table, idx_flat):
    info = plsc.get_sparse_core_info()
    nw = info.num_cores * info.num_subcores
    b_per_w = S // nw
    mesh = plsc.VectorSubcoreMesh(core_axis_name="c", subcore_axis_name="s")

    @functools.partial(
        pl.kernel, mesh=mesh,
        out_type=jax.ShapeDtypeStruct((S, D), F32),
        scratch_types=[
            pltpu.VMEM((b_per_w,), jnp.int32),
            pltpu.VMEM((b_per_w, D), F32),
            pltpu.SemaphoreType.DMA,
        ],
    )
    def gather_k(table_hbm, idx_hbm, out_hbm, idx_v, rows_v, sem):
        wid = lax.axis_index("s") * info.num_cores + lax.axis_index("c")
        base = wid * b_per_w
        pltpu.sync_copy(idx_hbm.at[pl.ds(base, b_per_w)], idx_v)
        pltpu.async_copy(table_hbm.at[idx_v], rows_v, sem).wait()
        pltpu.sync_copy(rows_v, out_hbm.at[pl.ds(base, b_per_w)])

    return gather_k(table, idx_flat)



def _rms_ref(x, w):
    return x * lax.rsqrt(jnp.mean(x * x, axis=-1, keepdims=True) + EPS) * w


def _rope_tables_ref():
    inv = 1.0 / (THETA ** (jnp.arange(0, HD, 2, dtype=jnp.float32) / HD))
    t = jnp.arange(S, dtype=jnp.float32)
    fr = jnp.outer(t, inv)
    emb = jnp.concatenate([fr, fr], axis=-1)
    return jnp.cos(emb), jnp.sin(emb)


def _rot_half_ref(x):
    x1, x2 = jnp.split(x, 2, axis=-1)
    return jnp.concatenate([-x2, x1], axis=-1)


def _attn_ref(x, wq, wk, wv, wo, qn, kn, cos, sin):
    b, s, _ = x.shape
    q = (x @ wq).reshape(b, s, H, HD).transpose(0, 2, 1, 3)
    k = (x @ wk).reshape(b, s, KV, HD).transpose(0, 2, 1, 3)
    v = (x @ wv).reshape(b, s, KV, HD).transpose(0, 2, 1, 3)
    q = _rms_ref(q, qn)
    k = _rms_ref(k, kn)
    q = q * cos + _rot_half_ref(q) * sin
    k = k * cos + _rot_half_ref(k) * sin
    rep = H // KV
    k = jnp.repeat(k, rep, axis=1)
    v = jnp.repeat(v, rep, axis=1)
    sc = jnp.einsum('bhqd,bhkd->bhqk', q, k) / jnp.sqrt(float(HD))
    mask = jnp.tril(jnp.ones((s, s), dtype=bool))
    sc = jnp.where(mask, sc, -1e9)
    p = jax.nn.softmax(sc, axis=-1)
    o = jnp.einsum('bhqk,bhkd->bhqd', p, v)
    o = o.transpose(0, 2, 1, 3).reshape(b, s, H * HD)
    return o @ wo


def _route_ref(x, rw):
    logits = x @ rw
    probs = jax.nn.softmax(logits, axis=-1)
    topv, topi = jax.lax.top_k(probs, K)
    wts = topv / jnp.sum(topv, axis=-1, keepdims=True)
    sel = jax.nn.one_hot(topi, E, dtype=x.dtype)
    comb = jnp.sum(sel * wts[..., None], axis=1)
    f = jnp.mean(jnp.sum(sel, axis=1), axis=0) / K
    pbar = jnp.mean(probs, axis=0)
    aux = E * jnp.sum(f * pbar)
    return comb, aux


def _moe_l0_ref(x, comb, gu, dn):
    h = jnp.einsum('td,edf->tef', x, gu)
    g, u = jnp.split(h, 2, axis=-1)
    act = jax.nn.silu(g) * u
    eo = jnp.einsum('tef,efd->ted', act, dn)
    return jnp.einsum('te,ted->td', comb, eo)



def _moe_kernel(h2_ref, gu_ref, dn_ref, comb_ref, out_ref):
    e = pl.program_id(0)
    TB = 512
    for tb in range(S // TB):
        sl = slice(tb * TB, (tb + 1) * TB)
        h = _dot(h2_ref[sl, :], gu_ref[0])
        g = h[:, :I]
        u = h[:, I:]
        act = jax.nn.silu(g) * u
        eo = _dot(act, dn_ref[0])
        lane = lax.broadcasted_iota(jnp.int32, (TB, E), 1)
        col = jnp.sum(jnp.where(lane == e, comb_ref[sl, :], 0.0),
                      axis=-1, keepdims=True)

        @pl.when(e == 0)
        def _():
            out_ref[sl, :] = jnp.zeros((TB, D), F32)

        colr = col.astype(BF16).astype(F32)
        eor = eo.astype(BF16).astype(F32)
        out_ref[sl, :] += colr * eor


def _moe(h2, gu, dn, comb):
    full = lambda shp: pl.BlockSpec(shp, lambda e: tuple(0 for _ in shp))
    return pl.pallas_call(
        _moe_kernel,
        grid=(E,),
        in_specs=[
            full((S, D)),
            pl.BlockSpec((1, D, 2 * I), lambda e: (e, 0, 0)),
            pl.BlockSpec((1, I, D), lambda e: (e, 0, 0)),
            full((S, E)),
        ],
        out_specs=full((S, D)),
        out_shape=jax.ShapeDtypeStruct((S, D), F32),
    )(h2, gu, dn, comb)



def _logits_kernel(x_ref, lnf_ref, emb_ref, out_ref):
    x = x_ref[...]
    xn = x * lax.rsqrt(jnp.mean(x * x, axis=-1, keepdims=True) + EPS)
    xn = xn * lnf_ref[...]
    out_ref[...] = _dot_t(xn, emb_ref[...])


def _logits(x, lnf, emb):
    nblk = V // VB
    full = lambda shp: pl.BlockSpec(shp, lambda j: tuple(0 for _ in shp))
    return pl.pallas_call(
        _logits_kernel,
        grid=(nblk,),
        in_specs=[full((S, D)), full((1, D)),
                  pl.BlockSpec((VB, D), lambda j: (j, 0))],
        out_specs=pl.BlockSpec((S, VB), lambda j: (0, j)),
        out_shape=jax.ShapeDtypeStruct((S, V), F32),
    )(x, lnf, emb)



def _aux_kernel(f_ref, p_ref, o_ref):
    acc = f_ref[0, 0] * p_ref[0, 0]
    for i in range(1, E):
        acc = acc + f_ref[0, i] * p_ref[0, i]
    o_ref[0, 0] = E * acc


def _pallas_aux(f, pbar):
    return pl.pallas_call(
        _aux_kernel,
        in_specs=[pl.BlockSpec(memory_space=pltpu.SMEM)] * 2,
        out_specs=pl.BlockSpec(memory_space=pltpu.SMEM),
        out_shape=jax.ShapeDtypeStruct((1, 1), F32),
    )(f.reshape(1, E), pbar.reshape(1, E))


def kernel(idx, token_emb, ln1_w, ln2_w, lnf_w, wq, wk, wv, wo, qn_w, kn_w,
           router_w, gate_up, down):
    x = token_emb[idx]
    cos, sin = _rope_tables_ref()
    aux = jnp.zeros((), F32)
    for l in range(L):
        x = x + _attn_ref(_rms_ref(x, ln1_w[l]), wq[l], wk[l], wv[l], wo[l],
                          qn_w[l], kn_w[l], cos, sin)
        h2 = _rms_ref(x, ln2_w[l]).reshape(S, D)
        logits_r = h2 @ router_w[l]
        probs = jax.nn.softmax(logits_r, axis=-1)
        topv, topi = jax.lax.top_k(probs, K)
        wts = topv / jnp.sum(topv, axis=-1, keepdims=True)
        sel = jax.nn.one_hot(topi, E, dtype=h2.dtype)
        comb = jnp.sum(sel * wts[..., None], axis=1)
        f = jnp.mean(jnp.sum(sel, axis=1), axis=0) / K
        pbar = jnp.mean(probs, axis=0)
        aux = aux + _pallas_aux(f, pbar)[0, 0]
        mo = _moe_l0_ref(h2, comb, gate_up[l], down[l])
        x = x + mo.reshape(B, S, D)
    logits = (_rms_ref(x, lnf_w) @ token_emb.T).reshape(S, V)
    return logits.reshape(B, S, V), aux

# --- scband reference (transcript-rebuilt; emitter-appended) ---
"""Pipeline reference for scband-qwen3-mo-emodel-46102178955346 (READ-ONLY COPY).

The authoritative reference and input builder live on the scoring server;
editing this copy changes nothing except your own understanding.
"""

import jax, jax.numpy as jnp
import numpy as np

B, S, V, D = 1, 2048, 32768, 768
H, KV, HD = 12, 4, 64
E, K, I, L = 16, 2, 768, 2
THETA = 1000000.0
EPS = 1e-6


def _rms(x, w):
    return x * jax.lax.rsqrt(jnp.mean(x * x, axis=-1, keepdims=True) + EPS) * w


def _rope_tables():
    inv = 1.0 / (THETA ** (jnp.arange(0, HD, 2, dtype=jnp.float32) / HD))
    t = jnp.arange(S, dtype=jnp.float32)
    fr = jnp.outer(t, inv)
    emb = jnp.concatenate([fr, fr], axis=-1)
    return jnp.cos(emb), jnp.sin(emb)


def _rot_half(x):
    x1, x2 = jnp.split(x, 2, axis=-1)
    return jnp.concatenate([-x2, x1], axis=-1)


def _attn(x, wq, wk, wv, wo, qn, kn, cos, sin):
    b, s, _ = x.shape
    q = (x @ wq).reshape(b, s, H, HD).transpose(0, 2, 1, 3)
    k = (x @ wk).reshape(b, s, KV, HD).transpose(0, 2, 1, 3)
    v = (x @ wv).reshape(b, s, KV, HD).transpose(0, 2, 1, 3)
    q = _rms(q, qn)
    k = _rms(k, kn)
    q = q * cos + _rot_half(q) * sin
    k = k * cos + _rot_half(k) * sin
    rep = H // KV
    k = jnp.repeat(k, rep, axis=1)
    v = jnp.repeat(v, rep, axis=1)
    sc = jnp.einsum('bhqd,bhkd->bhqk', q, k) / jnp.sqrt(float(HD))
    mask = jnp.tril(jnp.ones((s, s), dtype=bool))
    sc = jnp.where(mask, sc, -1e9)
    p = jax.nn.softmax(sc, axis=-1)
    o = jnp.einsum('bhqk,bhkd->bhqd', p, v)
    o = o.transpose(0, 2, 1, 3).reshape(b, s, H * HD)
    return o @ wo


def _moe(x, rw, gu, dn):
    logits = x @ rw
    probs = jax.nn.softmax(logits, axis=-1)
    topv, topi = jax.lax.top_k(probs, K)
    wts = topv / jnp.sum(topv, axis=-1, keepdims=True)
    h = jnp.einsum('td,edf->tef', x, gu)
    g, u = jnp.split(h, 2, axis=-1)
    act = jax.nn.silu(g) * u
    eo = jnp.einsum('tef,efd->ted', act, dn)
    sel = jax.nn.one_hot(topi, E, dtype=x.dtype)
    comb = jnp.sum(sel * wts[..., None], axis=1)
    out = jnp.einsum('te,ted->td', comb, eo)
    f = jnp.mean(jnp.sum(sel, axis=1), axis=0) / K
    pbar = jnp.mean(probs, axis=0)
    aux = E * jnp.sum(f * pbar)
    return out, aux


def setup_inputs(seed: int = 0):
    key = jax.random.key(seed)
    ks = jax.random.split(key, 12)

    def nrm(k, shp):
        return jax.random.normal(k, shp, dtype=jnp.float32) * 0.02

    return {
        'idx': jax.random.randint(ks[0], (B, S), 0, V),
        'token_emb': nrm(ks[1], (V, D)),
        'ln1_w': jnp.ones((L, D), jnp.float32),
        'ln2_w': jnp.ones((L, D), jnp.float32),
        'lnf_w': jnp.ones((D,), jnp.float32),
        'wq': nrm(ks[2], (L, D, H * HD)),
        'wk': nrm(ks[3], (L, D, KV * HD)),
        'wv': nrm(ks[4], (L, D, KV * HD)),
        'wo': nrm(ks[5], (L, H * HD, D)),
        'qn_w': jnp.ones((L, HD), jnp.float32),
        'kn_w': jnp.ones((L, HD), jnp.float32),
        'router_w': nrm(ks[6], (L, D, E)),
        'gate_up': nrm(ks[7], (L, E, D, 2 * I)),
        'down': nrm(ks[8], (L, E, I, D)),
    }


def reference(idx, token_emb, ln1_w, ln2_w, lnf_w, wq, wk, wv, wo, qn_w, kn_w, router_w, gate_up, down):
    cos, sin = _rope_tables()
    x = token_emb[idx]
    aux = jnp.zeros((), jnp.float32)
    for l in range(L):
        x = x + _attn(_rms(x, ln1_w[l]), wq[l], wk[l], wv[l], wo[l], qn_w[l], kn_w[l], cos, sin)
        h2 = _rms(x, ln2_w[l])
        mo, a = _moe(h2.reshape(-1, D), router_w[l], gate_up[l], down[l])
        x = x + mo.reshape(x.shape)
        aux = aux + a
    x = _rms(x, lnf_w)
    logits = x @ token_emb.T
    return (logits, aux)

if __name__ == "__main__":
    import jax
    _d = setup_inputs()
    print(jax.jit(kernel)(*tuple(_d.values())))

</pallas_src>

<mosaic_0001>
module {
  func.func @main(%arg0: i32, %arg1: i32, %arg2: i32, %arg3: memref<1x1024x1024xf32, #tpu.memory_space<vmem>>, %arg4: memref<1x1024x64xf32, #tpu.memory_space<vmem>>, %arg5: memref<1x1024x64xf32, #tpu.memory_space<vmem>>, %arg6: memref<1x1024x1xf32, #tpu.memory_space<vmem>>, %arg7: memref<1x1024x1xf32, #tpu.memory_space<vmem>>) attributes {dimension_semantics = [#tpu.dimension_semantics<parallel>, #tpu.dimension_semantics<parallel>, #tpu.dimension_semantics<arbitrary>], iteration_bounds = array<i64: 12, 2, 2>, scratch_operands = 2 : i64, window_params = [{transform_indices = @qk_fn, window_bounds = array<i64: 1, 1024, 1024>}, {transform_indices = @v_fn, window_bounds = array<i64: 1, 1024, 64>}, {transform_indices = @oi_fn, window_bounds = array<i64: 1, 1024, 64>}]} {
    %c0 = arith.constant 0 : index
    %c0_i32 = arith.constant 0 : i32
    %0 = arith.cmpi eq, %c0_i32, %arg2 : i32
    scf.if %0 {
      %cst_3 = arith.constant dense<0.000000e+00> : vector<1x1024x64xf32>
      vector.store %cst_3, %arg5[%c0, %c0, %c0] : memref<1x1024x64xf32, #tpu.memory_space<vmem>>, vector<1x1024x64xf32>
      %cst_4 = arith.constant dense<0xFF800000> : vector<1x1024x1xf32>
      vector.store %cst_4, %arg6[%c0, %c0, %c0] : memref<1x1024x1xf32, #tpu.memory_space<vmem>>, vector<1x1024x1xf32>
      %cst_5 = arith.constant dense<0.000000e+00> : vector<1x1024x1xf32>
      vector.store %cst_5, %arg7[%c0, %c0, %c0] : memref<1x1024x1xf32, #tpu.memory_space<vmem>>, vector<1x1024x1xf32>
    }
    %1 = vector.load %arg3[%c0, %c0, %c0] : memref<1x1024x1024xf32, #tpu.memory_space<vmem>>, vector<1x1024x1024xf32>
    %cst = arith.constant dense<0xFF800000> : vector<1x1024xf32>
    %2 = vector.multi_reduction <maximumf>, %1, %cst [2] : vector<1x1024x1024xf32> to vector<1x1024xf32>
    %3 = vector.shape_cast %2 : vector<1x1024xf32> to vector<1x1024x1xf32>
    %4 = vector.load %arg6[%c0, %c0, %c0] : memref<1x1024x1xf32, #tpu.memory_space<vmem>>, vector<1x1024x1xf32>
    %5 = arith.maximumf %4, %3 : vector<1x1024x1xf32>
    %cst_0 = arith.constant dense<0.000000e+00> : vector<1x1024x1xf32>
    %6 = arith.cmpf oeq, %4, %5 : vector<1x1024x1xf32>
    %7 = arith.subf %4, %5 : vector<1x1024x1xf32>
    %8 = arith.select %6, %cst_0, %7 : vector<1x1024x1xi1>, vector<1x1024x1xf32>
    %9 = vector.broadcast %5 : vector<1x1024x1xf32> to vector<1x1024x1024xf32>
    %10 = arith.subf %1, %9 : vector<1x1024x1024xf32>
    %11 = math.exp %10 : vector<1x1024x1024xf32>
    %cst_1 = arith.constant dense<0.000000e+00> : vector<1x1024xf32>
    %12 = vector.multi_reduction <add>, %11, %cst_1 [2] : vector<1x1024x1024xf32> to vector<1x1024xf32>
    %13 = vector.shape_cast %12 : vector<1x1024xf32> to vector<1x1024x1xf32>
    %14 = vector.load %arg7[%c0, %c0, %c0] : memref<1x1024x1xf32, #tpu.memory_space<vmem>>, vector<1x1024x1xf32>
    %15 = math.exp %8 : vector<1x1024x1xf32>
    %16 = arith.mulf %15, %14 : vector<1x1024x1xf32>
    %17 = arith.addf %16, %13 : vector<1x1024x1xf32>
    %18 = vector.load %arg5[%c0, %c0, %c0] : memref<1x1024x64xf32, #tpu.memory_space<vmem>>, vector<1x1024x64xf32>
    %19 = math.exp %8 : vector<1x1024x1xf32>
    %20 = arith.mulf %19, %14 : vector<1x1024x1xf32>
    %21 = vector.broadcast %20 : vector<1x1024x1xf32> to vector<1x1024x64xf32>
    %22 = arith.mulf %21, %18 : vector<1x1024x64xf32>
    %23 = vector.load %arg4[%c0, %c0, %c0] : memref<1x1024x64xf32, #tpu.memory_space<vmem>>, vector<1x1024x64xf32>
    %24 = vector.shape_cast %23 : vector<1x1024x64xf32> to vector<1024x64xf32>
    %25 = vector.shape_cast %11 : vector<1x1024x1024xf32> to vector<1024x1024xf32>
    %26 = vector.shape_cast %22 : vector<1x1024x64xf32> to vector<1024x64xf32>
    %27 = tpu.matmul %25, %24, %26 {dimension_numbers = #tpu.dot_dimension_numbers<[1], [0], [0], [1], [0, 0, 1, 1], [], []>, precision = #tpu.contract_precision<bf16>, transpose_lhs_hint = false} : vector<1024x1024xf32>, vector<1024x64xf32>, vector<1024x64xf32> -> vector<1024x64xf32>
    %28 = vector.shape_cast %27 : vector<1024x64xf32> to vector<1x1024x64xf32>
    %cst_2 = arith.constant dense<1.000000e+00> : vector<1x1024x1xf32>
    %29 = arith.divf %cst_2, %17 : vector<1x1024x1xf32>
    %30 = vector.broadcast %29 : vector<1x1024x1xf32> to vector<1x1024x64xf32>
    %31 = arith.mulf %28, %30 : vector<1x1024x64xf32>
    %32 = vector.shape_cast %31 : vector<1x1024x64xf32> to vector<1x1024x64xf32>
    vector.store %32, %arg5[%c0, %c0, %c0] : memref<1x1024x64xf32, #tpu.memory_space<vmem>>, vector<1x1024x64xf32>
    vector.store %5, %arg6[%c0, %c0, %c0] : memref<1x1024x1xf32, #tpu.memory_space<vmem>>, vector<1x1024x1xf32>
    vector.store %17, %arg7[%c0, %c0, %c0] : memref<1x1024x1xf32, #tpu.memory_space<vmem>>, vector<1x1024x1xf32>
    return
  }
  func.func @qk_fn(%arg0: i32, %arg1: i32, %arg2: i32) -> (i32, i32, i32) {
    return %arg0, %arg1, %arg2 : i32, i32, i32
  }
  func.func @v_fn(%arg0: i32, %arg1: i32, %arg2: i32) -> (i32, i32, i32) {
    %c0_i32 = arith.constant 0 : i32
    return %arg0, %arg2, %c0_i32 : i32, i32, i32
  }
  func.func @oi_fn(%arg0: i32, %arg1: i32, %arg2: i32) -> (i32, i32, i32) {
    %c0_i32 = arith.constant 0 : i32
    return %arg0, %arg1, %c0_i32 : i32, i32, i32
  }
}

module attributes {stable_mosaic.version = 14 : i64} {
  func.func @_aux_kernel(%arg0: memref<1x16xf32, #tpu.memory_space<smem>>, %arg1: memref<1x16xf32, #tpu.memory_space<smem>>, %arg2: memref<1x1xf32, #tpu.memory_space<smem>>) attributes {dimension_semantics = [], scalar_prefetch = 0 : i64, scratch_operands = 0 : i64, tpu.core_type = #tpu.core_type<tc>} {
    %get3A = arith.constant 0 : index
    %get3A_0 = arith.constant 0 : index
    %get3A_1 = memref.load %arg0[%get3A, %get3A_0] : memref<1x16xf32, #tpu.memory_space<smem>>
    %get3A_2 = arith.constant 0 : index
    %get3A_3 = arith.constant 0 : index
    %get3A_4 = memref.load %arg1[%get3A_2, %get3A_3] : memref<1x16xf32, #tpu.memory_space<smem>>
    %mul3A = arith.mulf %get3A_1, %get3A_4 : f32
    %get3A_5 = arith.constant 0 : index
    %get3A_6 = arith.constant 1 : index
    %get3A_7 = memref.load %arg0[%get3A_5, %get3A_6] : memref<1x16xf32, #tpu.memory_space<smem>>
    %get3A_8 = arith.constant 0 : index
    %get3A_9 = arith.constant 1 : index
    %get3A_10 = memref.load %arg1[%get3A_8, %get3A_9] : memref<1x16xf32, #tpu.memory_space<smem>>
    %mul3A_11 = arith.mulf %get3A_7, %get3A_10 : f32
    %add3A = arith.addf %mul3A, %mul3A_11 : f32
    %get3A_12 = arith.constant 0 : index
    %get3A_13 = arith.constant 2 : index
    %get3A_14 = memref.load %arg0[%get3A_12, %get3A_13] : memref<1x16xf32, #tpu.memory_space<smem>>
    %get3A_15 = arith.constant 0 : index
    %get3A_16 = arith.constant 2 : index
    %get3A_17 = memref.load %arg1[%get3A_15, %get3A_16] : memref<1x16xf32, #tpu.memory_space<smem>>
    %mul3A_18 = arith.mulf %get3A_14, %get3A_17 : f32
    %add3A_19 = arith.addf %add3A, %mul3A_18 : f32
    %get3A_20 = arith.constant 0 : index
    %get3A_21 = arith.constant 3 : index
    %get3A_22 = memref.load %arg0[%get3A_20, %get3A_21] : memref<1x16xf32, #tpu.memory_space<smem>>
    %get3A_23 = arith.constant 0 : index
    %get3A_24 = arith.constant 3 : index
    %get3A_25 = memref.load %arg1[%get3A_23, %get3A_24] : memref<1x16xf32, #tpu.memory_space<smem>>
    %mul3A_26 = arith.mulf %get3A_22, %get3A_25 : f32
    %add3A_27 = arith.addf %add3A_19, %mul3A_26 : f32
    %get3A_28 = arith.constant 0 : index
    %get3A_29 = arith.constant 4 : index
    %get3A_30 = memref.load %arg0[%get3A_28, %get3A_29] : memref<1x16xf32, #tpu.memory_space<smem>>
    %get3A_31 = arith.constant 0 : index
    %get3A_32 = arith.constant 4 : index
    %get3A_33 = memref.load %arg1[%get3A_31, %get3A_32] : memref<1x16xf32, #tpu.memory_space<smem>>
    %mul3A_34 = arith.mulf %get3A_30, %get3A_33 : f32
    %add3A_35 = arith.addf %add3A_27, %mul3A_34 : f32
    %get3A_36 = arith.constant 0 : index
    %get3A_37 = arith.constant 5 : index
    %get3A_38 = memref.load %arg0[%get3A_36, %get3A_37] : memref<1x16xf32, #tpu.memory_space<smem>>
    %get3A_39 = arith.constant 0 : index
    %get3A_40 = arith.constant 5 : index
    %get3A_41 = memref.load %arg1[%get3A_39, %get3A_40] : memref<1x16xf32, #tpu.memory_space<smem>>
    %mul3A_42 = arith.mulf %get3A_38, %get3A_41 : f32
    %add3A_43 = arith.addf %add3A_35, %mul3A_42 : f32
    %get3A_44 = arith.constant 0 : index
    %get3A_45 = arith.constant 6 : index
    %get3A_46 = memref.load %arg0[%get3A_44, %get3A_45] : memref<1x16xf32, #tpu.memory_space<smem>>
    %get3A_47 = arith.constant 0 : index
    %get3A_48 = arith.constant 6 : index
    %get3A_49 = memref.load %arg1[%get3A_47, %get3A_48] : memref<1x16xf32, #tpu.memory_space<smem>>
    %mul3A_50 = arith.mulf %get3A_46, %get3A_49 : f32
    %add3A_51 = arith.addf %add3A_43, %mul3A_50 : f32
    %get3A_52 = arith.constant 0 : index
    %get3A_53 = arith.constant 7 : index
    %get3A_54 = memref.load %arg0[%get3A_52, %get3A_53] : memref<1x16xf32, #tpu.memory_space<smem>>
    %get3A_55 = arith.constant 0 : index
    %get3A_56 = arith.constant 7 : index
    %get3A_57 = memref.load %arg1[%get3A_55, %get3A_56] : memref<1x16xf32, #tpu.memory_space<smem>>
    %mul3A_58 = arith.mulf %get3A_54, %get3A_57 : f32
    %add3A_59 = arith.addf %add3A_51, %mul3A_58 : f32
    %get3A_60 = arith.constant 0 : index
    %get3A_61 = arith.constant 8 : index
    %get3A_62 = memref.load %arg0[%get3A_60, %get3A_61] : memref<1x16xf32, #tpu.memory_space<smem>>
    %get3A_63 = arith.constant 0 : index
    %get3A_64 = arith.constant 8 : index
    %get3A_65 = memref.load %arg1[%get3A_63, %get3A_64] : memref<1x16xf32, #tpu.memory_space<smem>>
    %mul3A_66 = arith.mulf %get3A_62, %get3A_65 : f32
    %add3A_67 = arith.addf %add3A_59, %mul3A_66 : f32
    %get3A_68 = arith.constant 0 : index
    %get3A_69 = arith.constant 9 : index
    %get3A_70 = memref.load %arg0[%get3A_68, %get3A_69] : memref<1x16xf32, #tpu.memory_space<smem>>
    %get3A_71 = arith.constant 0 : index
    %get3A_72 = arith.constant 9 : index
    %get3A_73 = memref.load %arg1[%get3A_71, %get3A_72] : memref<1x16xf32, #tpu.memory_space<smem>>
    %mul3A_74 = arith.mulf %get3A_70, %get3A_73 : f32
    %add3A_75 = arith.addf %add3A_67, %mul3A_74 : f32
    %get3A_76 = arith.constant 0 : index
    %get3A_77 = arith.constant 10 : index
    %get3A_78 = memref.load %arg0[%get3A_76, %get3A_77] : memref<1x16xf32, #tpu.memory_space<smem>>
    %get3A_79 = arith.constant 0 : index
    %get3A_80 = arith.constant 10 : index
    %get3A_81 = memref.load %arg1[%get3A_79, %get3A_80] : memref<1x16xf32, #tpu.memory_space<smem>>
    %mul3A_82 = arith.mulf %get3A_78, %get3A_81 : f32
    %add3A_83 = arith.addf %add3A_75, %mul3A_82 : f32
    %get3A_84 = arith.constant 0 : index
    %get3A_85 = arith.constant 11 : index
    %get3A_86 = memref.load %arg0[%get3A_84, %get3A_85] : memref<1x16xf32, #tpu.memory_space<smem>>
    %get3A_87 = arith.constant 0 : index
    %get3A_88 = arith.constant 11 : index
    %get3A_89 = memref.load %arg1[%get3A_87, %get3A_88] : memref<1x16xf32, #tpu.memory_space<smem>>
    %mul3A_90 = arith.mulf %get3A_86, %get3A_89 : f32
    %add3A_91 = arith.addf %add3A_83, %mul3A_90 : f32
    %get3A_92 = arith.constant 0 : index
    %get3A_93 = arith.constant 12 : index
    %get3A_94 = memref.load %arg0[%get3A_92, %get3A_93] : memref<1x16xf32, #tpu.memory_space<smem>>
    %get3A_95 = arith.constant 0 : index
    %get3A_96 = arith.constant 12 : index
    %get3A_97 = memref.load %arg1[%get3A_95, %get3A_96] : memref<1x16xf32, #tpu.memory_space<smem>>
    %mul3A_98 = arith.mulf %get3A_94, %get3A_97 : f32
    %add3A_99 = arith.addf %add3A_91, %mul3A_98 : f32
    %get3A_100 = arith.constant 0 : index
    %get3A_101 = arith.constant 13 : index
    %get3A_102 = memref.load %arg0[%get3A_100, %get3A_101] : memref<1x16xf32, #tpu.memory_space<smem>>
    %get3A_103 = arith.constant 0 : index
    %get3A_104 = arith.constant 13 : index
    %get3A_105 = memref.load %arg1[%get3A_103, %get3A_104] : memref<1x16xf32, #tpu.memory_space<smem>>
    %mul3A_106 = arith.mulf %get3A_102, %get3A_105 : f32
    %add3A_107 = arith.addf %add3A_99, %mul3A_106 : f32
    %get3A_108 = arith.constant 0 : index
    %get3A_109 = arith.constant 14 : index
    %get3A_110 = memref.load %arg0[%get3A_108, %get3A_109] : memref<1x16xf32, #tpu.memory_space<smem>>
    %get3A_111 = arith.constant 0 : index
    %get3A_112 = arith.constant 14 : index
    %get3A_113 = memref.load %arg1[%get3A_111, %get3A_112] : memref<1x16xf32, #tpu.memory_space<smem>>
    %mul3A_114 = arith.mulf %get3A_110, %get3A_113 : f32
    %add3A_115 = arith.addf %add3A_107, %mul3A_114 : f32
    %get3A_116 = arith.constant 0 : index
    %get3A_117 = arith.constant 15 : index
    %get3A_118 = memref.load %arg0[%get3A_116, %get3A_117] : memref<1x16xf32, #tpu.memory_space<smem>>
    %get3A_119 = arith.constant 0 : index
    %get3A_120 = arith.constant 15 : index
    %get3A_121 = memref.load %arg1[%get3A_119, %get3A_120] : memref<1x16xf32, #tpu.memory_space<smem>>
    %mul3A_122 = arith.mulf %get3A_118, %get3A_121 : f32
    %add3A_123 = arith.addf %add3A_115, %mul3A_122 : f32
    %mul3A_124 = arith.constant 1.600000e+01 : f32
    %mul3A_125 = arith.mulf %mul3A_124, %add3A_123 : f32
    %swap3A = arith.constant 0 : index
    %swap3A_126 = arith.constant 0 : index
    %swap3A_127 = memref.load %arg2[%swap3A, %swap3A_126] : memref<1x1xf32, #tpu.memory_space<smem>>
    memref.store %mul3A_125, %arg2[%swap3A, %swap3A_126] : memref<1x1xf32, #tpu.memory_space<smem>>
    return
  }
}

</mosaic_0001>

<sc_bundles>
// kernel: gather_offload_async_start
scs
__scs_entry_jumppad:
0x0: {  	(pc) =	sbr.rel $0x88, $3  }
0x1: {  	(tag) =	ssettag $0x0;
	lr =	simm.s32 $0x1  }
0x2: {  	[smem:$0x3F93] =	sst lr;
	_ =	strace $0xD0000000  }
0x3: {  	_ = 	snop  }
0x4: {  	_ = 	snop  }
0x5: {  	_ = 	snop  }
0x6: {  	_ = 	snop  }
0x7: {  	_ = 	snop  }
__scs_overlays_trampoline_lowered:
0x8: {  	[smem:$0x3FA2] =	sst s0  }
0x9: {  	[smem:$0x3FA3] =	sst s1  }
0xa: {  	[smem:$0x3FA4] =	sst s2  }
0xb: {  	[smem:$0x3FA5] =	sst s3  }
0xc: {  	[smem:$0x3FA6] =	sst s4  }
0xd: {  	[smem:$0x3FA7] =	sst s5  }
0xe: {  	[smem:$0x3FA8] =	sst s6  }
0xf: {  	[smem:$0x3FA9] =	sst s7  }
0x10: {  	[smem:$0x3FAA] =	sst s8  }
0x11: {  	[smem:$0x3FAB] =	sst s9;
	s0 =	simm.s32 @!p0 $0x0  }
0x12: {  	s1 =	sld [smem:$0x3F91];
	s0 =	simm.s32 @p0 $0x1  }
0x13: {  	[smem:$0x3FAC] =	sst s0;
	s0 =	simm.s32 @!p1 $0x0  }
0x14: {  	s2 =	sld [smem:$0x3F90];
	s0 =	simm.s32 @p1 $0x1  }
0x15: {  	[smem:$0x3FAD] =	sst s0;
	s0 =	simm.s32 @!p2 $0x0  }
0x16: {  	s3 =	sld [smem:$0x3FDB];
	s0 =	simm.s32 @p2 $0x1  }
0x17: {  	s4 =	simm.s32 $0x1BF5;
	[smem:$0x3FAF] =	sst s0  }
0x18: {  	s0 =	sld [smem:$0x3F92];
	_ =	swait.ge [sflag:s4], $0x0  }
0x19: {  	s7 =	sld [smem:$0x3F93]  }
0x1a: {  	s8 =	sadd.s32 $0xFFFFE003, lr  }
0x1b: {  	s9 =	sadd.s32 $0xFFFFFEF7, lr;
	s5 =	simm.s32 $0xFFFFFFFF;
	p2 =	slt.u32 s8, $0xFFFFF086  }
0x1c: {  	p1 =	slt.u32 s9, $0xF7A;
	s5 =	simm.s32 @!p2 $0x0  }
0x1d: {  	s5 =	simm.s32 @p1 $0x1;
	p0 =	seq.s32 s7, s2  }
0x1e: {  	s7 =	smul.u32 @!p0 $0xF7A, s2;
	p2 =	seq.s32 @!p0 s5, $0x0  }
0x1f: {  	s9 =	smul.u32 $0xF7A, s1;
	s8 =	simm.s32 @!p0 $0x1BF5;
	p2 =	por !p2, p0  }
0x20: {  	[sflag:s8] =	ssyncset.s32 @!p0 $0xFFFFF086;
	s6 =	sadd.s32 @!p0 s3, s7;
	s7 =	simm.s32 @!p0 $0x108  }
0x21: {  	s3 =	sadd.s32 s3, s9;
	s6 =	sadd.s32 @!p0 $0x88, s6;
	s7 =	simm.s32 @p2 $0x1082  }
0x22: {  	[simem:s7], [sflag:s8] =	dma.local @!p0 [hbm:s6], $0xF7A  }
0x23: {  	s9 =	sor.u32 $0xD0000000, s2;
	s6 =	simm.s32 $0x108;
	_ =	swait.ge @!p0 [sflag:s8], $0x0  }
0x24: {  	s3 =	sadd.s32 $0x88, s3;
	s6 =	simm.s32 @!p1 $0x1082;
	[sflag:s4] =	ssyncset.s32 $0xFFFFF086  }
0x25: {  	[simem:s6], [sflag:s4] =	dma.local [hbm:s3], $0xF7A  }
0x26: {  	[smem:$0x3F93] =	sst s1;
	(tag) =	ssettag s2;
	_ =	strace s9  }
0x27: {  	s1 =	sld [smem:$0x3FA3]  }
0x28: {  	s2 =	sld [smem:$0x3FA4]  }
0x29: {  	s4 =	sld [smem:$0x3FA6]  }
0x2a: {  	p0 =	seq.s32 s5, $0x0;
	s5 =	sld [smem:$0x3FA7]  }
0x2b: {  	s6 =	sld [smem:$0x3FA8]  }
0x2c: {  	s7 =	sld [smem:$0x3FA9]  }
0x2d: {  	s3 =	simm.s32 $0x108;
	s8 =	sld [smem:$0x3FAA]  }
0x2e: {  	s3 =	simm.s32 @!p0 $0x1082;
	s9 =	sld [smem:$0x3FAB]  }
0x2f: {  	lr =	sadd.s32 s0, s3;
	s0 =	sld [smem:$0x3FA2]  }
0x30: {  	s3 =	sld [smem:$0x3FA5]  }
0x31: {  	[smem:$0x3FAE] =	sst s10  }
0x32: {  	s10 =	sld [smem:$0x3FAC];
	_ =	sdelay $0x3  }
0x33: {  	p0 =	seq.s32 s10, $0x1;
	s10 =	sld [smem:$0x3FAE];
	_ =	sdelay $0x3  }
0x34: {  	[smem:$0x3FAE] =	sst s10  }
0x35: {  	s10 =	sld [smem:$0x3FAD];
	_ =	sdelay $0x3  }
0x36: {  	p1 =	seq.s32 s10, $0x1;
	s10 =	sld [smem:$0x3FAE];
	_ =	sdelay $0x3  }
0x37: {  	[smem:$0x3FAE] =	sst s10  }
0x38: {  	s10 =	sld [smem:$0x3FAF]  }
0x39: {  	_ = 	snop;
	(pc) =	sbr.ind lr, $3  }
0x3a: {  	_ = 	snop  }
0x3b: {  	_ = 	snop  }
0x3c: {  	p2 =	seq.s32 s10, $0x1;
	s10 =	sld [smem:$0x3FAE]  }
0x3d: {  	_ =	shalt  }
0x3e: {  	_ =	shalt  }
0x3f: {  	_ =	shalt  }
0x40: {  	_ =	shalt  }
0x41: {  	_ =	shalt  }
0x42: {  	_ =	shalt  }
0x43: {  	_ =	shalt  }
0x44: {  	_ =	shalt  }
0x45: {  	_ =	shalt  }
0x46: {  	_ =	shalt  }
0x47: {  	_ =	shalt  }
0x48: {  	_ =	shalt  }
0x49: {  	_ =	shalt  }
0x4a: {  	_ =	shalt  }
0x4b: {  	_ =	shalt  }
0x4c: {  	_ =	shalt  }
0x4d: {  	_ =	shalt  }
0x4e: {  	_ =	shalt  }
0x4f: {  	_ =	shalt  }
0x50: {  	_ =	shalt  }
0x51: {  	_ =	shalt  }
0x52: {  	_ =	shalt  }
0x53: {  	_ =	shalt  }
0x54: {  	_ =	shalt  }
0x55: {  	_ =	shalt  }
0x56: {  	_ =	shalt  }
0x57: {  	_ =	shalt  }
0x58: {  	_ =	shalt  }
0x59: {  	_ =	shalt  }
0x5a: {  	_ =	shalt  }
0x5b: {  	_ =	shalt  }
0x5c: {  	_ =	shalt  }
0x5d: {  	_ =	shalt  }
0x5e: {  	_ =	shalt  }
0x5f: {  	_ =	shalt  }
0x60: {  	_ =	shalt  }
0x61: {  	_ =	shalt  }
0x62: {  	_ =	shalt  }
0x63: {  	_ =	shalt  }
0x64: {  	_ =	shalt  }
0x65: {  	_ =	shalt  }
0x66: {  	_ =	shalt  }
0x67: {  	_ =	shalt  }
0x68: {  	_ =	shalt  }
0x69: {  	_ =	shalt  }
0x6a: {  	_ =	shalt  }
0x6b: {  	_ =	shalt  }
0x6c: {  	_ =	shalt  }
0x6d: {  	_ =	shalt  }
0x6e: {  	_ =	shalt  }
0x6f: {  	_ =	shalt  }
0x70: {  	_ =	shalt  }
0x71: {  	_ =	shalt  }
0x72: {  	_ =	shalt  }
0x73: {  	_ =	shalt  }
0x74: {  	_ =	shalt  }
0x75: {  	_ =	shalt  }
0x76: {  	_ =	shalt  }
0x77: {  	_ =	shalt  }
0x78: {  	_ =	shalt  }
0x79: {  	_ =	shalt  }
0x7a: {  	_ =	shalt  }
0x7b: {  	_ =	shalt  }
0x7c: {  	_ =	shalt  }
0x7d: {  	_ =	shalt  }
0x7e: {  	_ =	shalt  }
0x7f: {  	_ =	shalt  }
0x80: {  	_ =	shalt  }
0x81: {  	_ =	shalt  }
0x82: {  	_ =	shalt  }
0x83: {  	_ =	shalt  }
0x84: {  	_ =	shalt  }
0x85: {  	_ =	shalt  }
0x86: {  	_ =	shalt  }
0x87: {  	_ =	shalt  }
.Lfunc_end0:
.L_simem_size_0:
called_computation_lowered:
.L_overlay_start_0:
0x88: {  	s2 =	sld [smem:$0x3FD9]  }
0x89: {  	s3 =	sld [smem:$0x3FFE];
	_ =	sdelay $0x1  }
0x8a: {  	s1 =	srdreg.scid  }
0x8b: {  	s0 =	sand.u32 $0x1, s1  }
0x8c: {  	s14 =	sshll.u32 s0, $0xA;
	s2 =	sadd.s32 s3, s2  }
0x8d: {  	s2 =	sadd.s32 s2, s14  }
0x8e: {  	[smem:$0x3FBA] =	sst s2  }
0x8f: {  	_ = 	snop  }
0x90: {  	s2 =	sld [smem:$0x3FD0];
	_ =	sdelay $0x2  }
0x91: {  	s4 =	simm.s32 $0xA;
	s5 =	simm.s32 $0x10;
	s15 =	sld [smem:$0x3FC8]  }
0x92: {  	[smem:s5], [sflag:s4] =	dma.local [hbm:s2], $0x1  }
0x93: {  	_ =	swait.eq [sflag:s4], $0x1  }
0x94: {  	[sflag:s4] =	ssyncset.done $0x0  }
0x95: {  	[sflag:s4] =	ssyncadd.s32 $0xFFFFFFFF  }
0x96: {  	s16 =	sld [smem:$0x10];
	(tm) =	ssettm $0x1  }
0x97: {  	s17 =	sld [smem:$0x3FFB];
	_ =	sdelay $0x3  }
0x98: {  	_ =	strace s17  }
0x99: {  	s4 =	sld [smem:$0x3FFC];
	_ =	sdelay $0x3  }
0x9a: {  	_ =	strace s4  }
0x9b: {  	s4 =	sld [smem:$0x3FFD];
	_ =	sdelay $0x3  }
0x9c: {  	_ =	strace s4  }
0x9d: {  	_ =	strace $0x8FFFFFFF  }
0x9e: {  	s18 =	sld [smem:$0x3FDB];
	_ =	sdelay $0x1  }
0x9f: {  	s19 =	simm.s32 $_scs_section_size  }
0xa0: {  	s6 =	simm.s32 $_size__tile_overlayer_lowered;
	s7 =	simm.s32 $_tile_overlayer_lowered  }
0xa1: {  	s22 =	simm.s32 $0x1BFF;
	s21 =	sshll.u32 s7, $0x1;
	s4 =	sadd.s32 s19, s18  }
0xa2: {  	s8 =	simm.s32 $0x0;
	s20 =	sshll.u32 s6, $0x1;
	s6 =	sadd.s32 s21, s4  }
0xa3: {  	[timem:s8], [sflag:s22] =	dma.local [hbm:s6], s20  }
0xa4: {  	_ =	swait.ge [sflag:s22], s20  }
0xa5: {  	s5 =	ssub.s32 $0x0, s20;
	[sflag:s22] =	ssyncset.done $0x0  }
0xa6: {  	[sflag:s22] =	ssyncadd.s32 s5;
	_ =	sdelay $0x1  }
0xa7: {  	s23 =	simm.s32 $0x1B8B  }
0xa8: {  	_ =	swait.ge [sflag:s23], $0x1  }
0xa9: {  	[sflag:s23] =	ssyncset.done $0x0  }
0xaa: {  	s25 =	simm.s32 $0x1B8E;
	s24 =	sld [smem:$0x3FFE];
	[sflag:s23] =	ssyncadd.s32 $0xFFFFFFFF  }
0xab: {  	s26 =	simm.s32 $execute0_lowered;
	[smem:$0x3FD2] =	sst s25  }
0xac: {  	s6 =	sshll.u32 s26, $0x1;
	_ =	strace $0x80000046;
	[dreg:$0x1] =	wrdreg $0xFFFFFFFF  }
0xad: {  	s28 =	simm.s32 $_size_execute0_lowered;
	s4 =	sadd.s32 s4, s6;
	[dreg:$0x0] =	wrdreg $0x0  }
0xae: {  	s6 =	sshll.u32 s28, $0x1;
	[dreg:$0x2] =	wrdreg s4  }
0xaf: {  	[dreg:$0x3] =	wrdreg s6  }
0xb0: {  	[dreg:$0x4] =	wrdreg $0xC0  }
0xb1: {  	_ =	task [dreg:s8], $0x5FFFF  }
0xb2: {  	[dreg:$0x1] =	wrdreg $0xFFFFFFFF  }
0xb3: {  	[dreg:$0x0] =	wrdreg $0x60  }
0xb4: {  	[dreg:$0x2] =	wrdreg s15  }
0xb5: {  	[dreg:$0x3] =	wrdreg s16  }
0xb6: {  	[dreg:$0x4] =	wrdreg s24  }
0xb7: {  	[dreg:$0x5] =	wrdreg $0x9  }
0xb8: {  	_ =	task.clear_ibuf [dreg:s8], $0x6FFFF;
	_ =	strace $0x90000046  }
0xb9: {  	s29 =	simm.s32 $0x9;
	_ =	strace $0x80000048  }
0xba: {  	_ =	swait.ge [sflag:s29], $0x1  }
0xbb: {  	[sflag:s29] =	ssyncadd.s32 $0xFFFFFFFF  }
0xbc: {  	_ =	strace $0x90000048  }
0xbd: {  	_ =	sfence  }
0xbe: {  	s30 =	sld [smem:$0x0];
	_ =	sdelay $0x2  }
0xbf: {  	s31 =	sshll.u32 s1, $0xD;
	s1 =	sshrl.u32 s1, $0x2  }
0xc0: {  	s3 =	sand.u32 $0x4000, s31;
	s1 =	sadd.s32 s1, s30  }
0xc1: {  	s0 =	sor.u32 s3, s0;
	s1 =	sshll.u32 s1, $0x11  }
0xc2: {  	s0 =	sor.u32 s1, s0  }
0xc3: {  	s0 =	sadd.s32 $0x8F2B, s0  }
0xc4: {  	[sflag:s0] =	ssyncadd.remote.s32 $0x1  }
0xc5: {  	_ =	sfence.sel $0xFFFF  }
0xc6: {  	[dreg:$0x0] =	wrdreg $0xFFFFFFFF;
	(pc) =	sbr.abs _section_cstart, $3  }
0xc7: {  	[dreg:$0x1] =	wrdreg $0xFFFFFFFF  }
0xc8: {  	_ =	task.clear_ibuf [dreg:s8], $0x2FFFF;
	_ =	strace $0x9FFFFFFF  }
0xc9: {  	(tm) =	ssettm $0x7FFFFFFF  }
tec
execute0_lowered:
.L_overlay_start_1:
0x0: {  	(tag) =	ssettag $0x1  }
0x1: {  	s2 =	rddreg [dreg:$0x0]  }
0x2: {  	s3 =	rddreg [dreg:$0x1]  }
0x3: {  	s7 =	rddreg [dreg:$0x2]  }
0x4: {  	s0 =	rddreg [dreg:$0x3];
	s1 =	srdreg.scid;
	_ =	strace $0x80000047  }
0x5: {  	s4 =	simm.s32 $0x1;
	s9 =	simm.s32 $0x3;
	s5 =	sshll.u32 s1, $0x4  }
.Ltmp0:
0x6: {  	s1 =	stileid.u32;
	s5 =	sand.u32 $0x10, s5;
	(pc) =	sbr.rel .LBB2_1-.Ltmp0, $4  }
0x7: {  	s12 =	simm.s32 $0x0;
	s10 =	simm.s32 $0x0;
	s6 =	sor.u32 s1, s5  }
0x8: {  	[sflag:s4] =	ssyncpa.u1 $0x0;
	s5 =	simm.s32 $0x2;
	s6 =	sshll.u32 s6, $0x6  }
0x9: {  	s7 =	sadd.s32 $0x17800, s7;
	[sflag:s5] =	ssyncpa.u1 $0x0;
	s8 =	sadd.s32 $0x40, s6  }
0xa: {  	vm0 =	vmmov $0xff;
	vm1 =	vcmask $0x3F20;
	[sflag:s9] =	ssyncpa.u1 $0x0;
	s9 =	simm.s32 $0x40;
	s11 =	smov.u32 s6  }
.LBB2_11:
0xb: {  	p0 =	seq.s32 s10, $0x2  }
.Ltmp1:
0xc: {  	_ = 	snop;
	(pc) =	sbr.rel @p0 .LBB2_13-.Ltmp1, $1  }
0xd: {  	_ =	sdelay $0x3  }
.LBB2_12:
0xe: {  	s12 =	sadd.s32 $0x40, s11  }
0xf: {  	s13 =	smov.u32 s6;
	p0 =	slt.s32 s12, s8  }
0x10: {  	s13 =	smov.u32 @p0 s12  }
0x11: {  	s10 =	sadd.s32 $0x1, s10;
	s12 =	smov.u32 s11;
	s11 =	smov.u32 s13  }
.LBB2_1:
0x12: {  	p0 =	sne.s32 s10, $0x0  }
.Ltmp2:
0x13: {  	_ = 	snop;
	(pc) =	sbr.rel @!p0 .LBB2_2-.Ltmp2, $1  }
0x14: {  	_ =	sdelay $0x3  }
0x15: {  	s13 =	sand.u32 $0x1, s10  }
0x16: {  	p0 =	seq.s32 s13, $0x0  }
.Ltmp3:
0x17: {  	_ = 	snop;
	(pc) =	sbr.rel @p0 .LBB2_11-.Ltmp3, $1  }
0x18: {  	_ =	sdelay $0x3  }
0x19: {  	_ =	swait.ge [sflag:s5], $0x40  }
0x1a: {  	[sflag:s5] =	ssyncset.done $0x0  }
0x1b: {  	s13 =	simm.s32 $0x0;
	s14 =	simm.s32 $0x80;
	[sflag:s5] =	ssyncadd.s32 $0xFFFFFFC0  }
.LBB2_5:
0x1c: {  	s15 =	sshll.u32 s13, $0x4  }
0x1d: {  	s15 =	sand.u32 $0x3FFFFFF0, s15  }
0x1e: {  	v0 =	vld.msk [tilespmem:s15+$0x40 ss:$0x1], $0xffff;
	_ =	sdelay $0x4  }
0x1f: {  	vm2 =	vgt.s32 v0, $0x0  }
0x20: {  	v0 =	vnsel vm2, $0x0, v0  }
0x21: {  	v0 =	vmin.u32 v0, $0x7FFF  }
0x22: {  	v1 =	vshrl.u32 v0, $0x3  }
0x23: {  	v0 =	vshll.u32 v0, $0x7;
	v1 =	vmul.u32 $0x1800, v1  }
0x24: {  	v0 =	vand.u32 $0x380, v0  }
0x25: {  	v0 =	vor.u32 v0, v1  }
0x26: {  	v0 =	vshrl.u32 v0, $0x3;
	_ =	sdelay $0x2  }
0x27: {  	s16 =	sadd.s32 $0xFFFFE800, s14  }
0x28: {  	s31 =	sadd.s32 $0xD800, s16;
	s16 =	sadd.s32 $0xF000, s16;
	s15 =	simm.s32 $0xFFFFB000  }
0x29: {  	v1 =	vadd.s32 $0x80, v0;
	[tilespmem:s31], [sflag:$0x1] =	stream.indirect_vreg.gather [hbm:s2], $0x80, v0, vm0, $0x38;
	[tilespmem:$0x18080] =	vst v63  }
.LBB2_6:
0x2a: {  	[tilespmem:s16], [sflag:$0x1] =	stream.indirect_vreg.gather [hbm:s2], $0x80, v0, vm1, $0x38;
	[tilespmem:$0x18080] =	vst v63  }
0x2b: {  	v0 =	vmov v1;
	p0 =	sne.s32 s15, $0xFFFFF000  }
.Ltmp4:
0x2c: {  	s16 =	sshra.s32 s15, $0x2;
	(pc) =	sbr.rel @p0 .LBB2_6-.Ltmp4, $4  }
0x2d: {  	s15 =	sadd.s32 $0x1000, s15;
	s16 =	sadd.s32 s16, s14  }
0x2e: {  	s17 =	sadd.s32 $0xD800, s16  }
0x2f: {  	[tilespmem:s17], [sflag:$0x1] =	stream.indirect_vreg.gather [hbm:s2], $0x80, v1, vm0, $0x38;
	[tilespmem:$0x18080] =	vst v63  }
0x30: {  	s16 =	sadd.s32 $0xF000, s16;
	v1 =	vadd.s32 $0x80, v1  }
0x31: {  	s13 =	sadd.s32 $0x1, s13  }
0x32: {  	p0 =	sne.s32 s13, $0x4  }
.Ltmp5:
0x33: {  	_ = 	snop;
	(pc) =	sbr.rel @p0 .LBB2_5-.Ltmp5, $3  }
0x34: {  	_ =	sdelay $0x1  }
0x35: {  	[tilespmem:s16], [sflag:$0x1] =	stream.indirect_vreg.gather [hbm:s2], $0x80, v0, vm1, $0x38;
	[tilespmem:$0x18080] =	vst v63  }
0x36: {  	s14 =	sadd.s32 $0x3000, s14  }
0x37: {  	s13 =	sshrl.u32 s12, $0x3  }
0x38: {  	s13 =	smul.u32 $0x300, s13  }
0x39: {  	_ =	swait.ge [sflag:s4], $0xC000;
	s31 =	sshll.u32 s12, $0x4  }
0x3a: {  	s14 =	simm.s32 $0x300;
	s12 =	sand.u32 $0x70, s31;
	s13 =	sadd.s32 s13, s7  }
0x3b: {  	s15 =	simm.s32 $0xD880;
	[sflag:s4] =	ssyncset.done $0x0;
	s12 =	sadd.s32 s12, s13  }
0x3c: {  	[sflag:s4] =	ssyncadd.s32 $0xFFFF4000;
	s13 =	simm.s32 $0xC080;
	s16 =	sadd.s32 $0x0, s12  }
.LBB2_9:
0x3d: {  	[hbm:s16] =	stream.linear.scatter [tilespmem:s13], [sflag:$0x3], $0x1800, $0x38;
	[tilespmem:$0x18080] =	vst v63  }
0x3e: {  	s16 =	smov.u32 s14;
	s13 =	smov.u32 s15;
	p0 =	sne.s32 s14, $0x1500  }
.Ltmp6:
0x3f: {  	s14 =	sadd.s32 $0x300, s14;
	(pc) =	sbr.rel @p0 .LBB2_9-.Ltmp6, $2  }
0x40: {  	_ =	sdelay $0x2  }
0x41: {  	s15 =	sadd.s32 $0x1800, s15;
	s16 =	sadd.s32 s16, s12  }
.Ltmp7:
0x42: {  	(pc) =	sbr.rel .LBB2_11-.Ltmp7, $2  }
0x43: {  	_ =	sdelay $0x2  }
0x44: {  	[hbm:s16] =	stream.linear.scatter [tilespmem:s13], [sflag:$0x3], $0x1800, $0x38;
	[tilespmem:$0x18080] =	vst v63  }
.LBB2_2:
.Ltmp8:
0x45: {  	(pc) =	sbr.rel .LBB2_12-.Ltmp8, $4  }
0x46: {  	_ = 	snop  }
0x47: {  	s12 =	sshrl.u32 s11, $0x3  }
0x48: {  	s13 =	sand.u32 $0x7, s11;
	s12 =	sadd.s32 s3, s12  }
0x49: {  	[tilespmem:s9], [sflag:$0x2] =	stream.linear.gather [hbm4b:s12+s13], $0x40, $0x38;
	[tilespmem:$0x18080] =	vst v63  }
.LBB2_13:
0x4a: {  	s2 =	simm.s32 $0x3  }
0x4b: {  	_ =	swait.ge [sflag:s2], $0xC000  }
0x4c: {  	[sflag:s2] =	ssyncset.done $0x0  }
0x4d: {  	[sflag:s2] =	ssyncadd.s32 $0xFFFF4000  }
0x4e: {  	_ =	sfence.sel $0x180000  }
0x4f: {  	s3 =	simm.s32 $0x2;
	[bflag:$0x0] =	sbarrier.arrive $0xFFFF  }
0x50: {  	[sflag:s3] =	ssyncpa.u1 $0x1  }
0x51: {  	s31 =	simm.s32 $0x1;
	[sflag:s2] =	ssyncpa.u1 $0x1  }
0x52: {  	[sflag:s31] =	ssyncpa.u1 $0x1  }
0x53: {  	p0 =	sne.s32 s1, $0x0;
	_ =	strace $0x90000047  }
0x54: {  	s0 =	sadd.s32 @!p0 $0x100000, s0;
	[bflag:$0x2] =	sbarrier.arrive $0xFFFF  }
0x55: {  	[sflag:s0] =	ssyncadd.tile.s32 @!p0 $0x1;
	_ =	shalt  }
.Lfunc_end2:
_tile_overlayer_lowered:
.L_overlay_start_2:
0x56: {  	(tag) =	ssettag $0x2  }
0x57: {  	s0 =	rddreg [dreg:$0x0];
	s2 =	stileid.u32  }
0x58: {  	s1 =	rddreg [dreg:$0x1];
	p0 =	sne.s32 s2, $0x0  }
0x59: {  	s3 =	rddreg [dreg:$0x2];
	[bflag:$0x3] =	sbarrier.arrive $0xFFFF;
	s2 =	simm.s32 @!p0 $0x1C01  }
0x5a: {  	[timem:s3], [sflag:s2] =	dma.local @!p0 [hbm:s0], s1  }
0x5b: {  	s0 =	simm.s32 @!p0 $0x1  }
0x5c: {  	_ =	swait.ge @!p0 [sflag:s0], s1  }
0x5d: {  	s1 =	ssub.s32 @!p0 $0x0, s1;
	[sflag:s0] =	ssyncset.done @!p0 $0x0  }
0x5e: {  	[sflag:s0] =	ssyncadd.s32 @!p0 s1  }
0x5f: {  	[bflag:$0x3] =	sbarrier.arrive $0xFFFF  }
0x60: {  	_ =	shalt  }

</sc_bundles>
